<compile_context>
chip_gen: v7x
topology: tpu7x:2x2x1
jax: 0.10.2.dev20260603
libtpu: 0.0.44.dev20260713+nightly
codegen_flags: <defaults>
</compile_context>

<pallas_src>
import functools

import jax
import jax.numpy as jnp
from jax import lax
from jax.experimental import pallas as pl
from jax.experimental.pallas import tpu as pltpu
from jax.experimental.pallas import tpu_sc as plsc

F = 128
N_PER_SET = 50000
NC = 2
NS = 16
NB = 128
NB2 = 26
PER_H = NB * NB2
HALF = PER_H * NS * NC
PAD = HALF - 2 * N_PER_SET
IDX_LEN = 2 * HALF

BLK = 2000


def _sc_gather_body(table_hbm, idx_hbm, out_hbm, idx_v, bufs, gsems, wsems):
  wid = lax.axis_index("s") * NC + lax.axis_index("c")
  base = wid * PER_H
  pltpu.sync_copy(idx_hbm.at[pl.ds(base, PER_H)], idx_v.at[pl.ds(0, PER_H)])
  pltpu.sync_copy(idx_hbm.at[pl.ds(HALF + base, PER_H)],
                  idx_v.at[pl.ds(PER_H, PER_H)])

  def gath(off, t, b):
    return pltpu.make_async_copy(
        table_hbm.at[idx_v.at[pl.ds(off + t * NB, NB)]], bufs[b], gsems[b])

  def wout(half, t, b):
    return pltpu.make_async_copy(
        bufs[b], out_hbm.at[half, pl.ds(base + t * NB, NB)], wsems[b])

  gath(0, 0, 0).start()
  gath(PER_H, 0, 1).start()

  def step(k, carry):
    gath(0, k, 0).wait()
    wout(0, k, 0).start()
    wout(0, k, 0).wait()

    @pl.when(k + 1 < NB2)
    def _():
      gath(0, k + 1, 0).start()

    gath(PER_H, k, 1).wait()
    wout(1, k, 1).start()
    wout(1, k, 1).wait()

    @pl.when(k + 1 < NB2)
    def _():
      gath(PER_H, k + 1, 1).start()

    return carry

  lax.fori_loop(0, NB2, step, 0)


@functools.lru_cache(maxsize=None)
def _make_sc_gather():
  return pl.kernel(
      _sc_gather_body,
      out_type=jax.ShapeDtypeStruct((2, HALF, F), jnp.float32),
      mesh=plsc.VectorSubcoreMesh(core_axis_name="c", subcore_axis_name="s"),
      scratch_types=[
          pltpu.VMEM((2 * PER_H,), jnp.int32),
          [pltpu.VMEM((NB, F), jnp.float32)] * 2,
          [pltpu.SemaphoreType.DMA] * 2,
          [pltpu.SemaphoreType.DMA] * 2,
      ],
  )


def _mlp_probs(g_ref, w5_ref, b5_ref, w6_ref, b6_ref):
  p = g_ref[0] * g_ref[1]
  h = lax.dot_general(
      p, w5_ref[...], (((1,), (1,)), ((), ())),
      preferred_element_type=jnp.float32)
  h = jnp.maximum(h + b5_ref[...], 0.0)
  logits = lax.dot_general(
      h, w6_ref[...], (((1,), (1,)), ((), ())),
      preferred_element_type=jnp.float32) + b6_ref[...]
  m = jnp.max(logits, axis=-1, keepdims=True)
  e = jnp.exp(logits - m)
  return e / jnp.sum(e, axis=-1, keepdims=True)


def _mlp_body_r(g_ref, w5_ref, b5_ref, w6_ref, b6_ref, out_ref):
  out_ref[...] = _mlp_probs(g_ref, w5_ref, b5_ref, w6_ref, b6_ref)


def _mlp_body_s(g_ref, w5_ref, b5_ref, w6_ref, b6_ref, out_ref):
  out_ref[...] = _mlp_probs(g_ref, w5_ref, b5_ref, w6_ref, b6_ref)


def _mlp_call(body, gathered, weights, block_off, out_shape, out_spec):
  grid = N_PER_SET // BLK
  return pl.pallas_call(
      body,
      grid=(grid,),
      in_specs=[
          pl.BlockSpec((2, BLK, F), lambda i: (0, i + block_off, 0)),
          pl.BlockSpec((F, F), lambda i: (0, 0)),
          pl.BlockSpec((1, F), lambda i: (0, 0)),
          pl.BlockSpec((2, F), lambda i: (0, 0)),
          pl.BlockSpec((1, 2), lambda i: (0, 0)),
      ],
      out_specs=out_spec,
      out_shape=out_shape,
  )(gathered, *weights)


def kernel(x, cliques_r, cliques_s, node_features, lin5_w, lin5_b, lin6_w,
           lin6_b):
  del x
  zpad = jnp.zeros((PAD,), jnp.int32)
  idx_all = jnp.concatenate([
      cliques_r[:, 0], cliques_s[:, 0], zpad,
      cliques_r[:, 1], cliques_s[:, 1], zpad,
  ])
  gathered = _make_sc_gather()(node_features, idx_all)

  weights = (lin5_w, lin5_b.reshape(1, F), lin6_w, lin6_b.reshape(1, 2))
  edge_probs_r = _mlp_call(
      _mlp_body_r, gathered, weights, 0,
      jax.ShapeDtypeStruct((N_PER_SET, 2), jnp.float32),
      pl.BlockSpec((BLK, 2), lambda i: (i, 0)))
  edge_probs_s = _mlp_call(
      _mlp_body_s, gathered, weights, N_PER_SET // BLK,
      jax.ShapeDtypeStruct((N_PER_SET, 2), jnp.float32),
      pl.BlockSpec((BLK, 2), lambda i: (i, 0)))
  return (edge_probs_r, edge_probs_s[:, None, :])

# --- scband reference (transcript-rebuilt; emitter-appended) ---
"""Pipeline reference for scband-ramsey-mpnn-41463614276026 (READ-ONLY COPY).

The authoritative reference and input builder live on the scoring server;
editing this copy changes nothing except your own understanding.
"""

import jax, jax.numpy as jnp
import numpy as np

NUM_NODES = 100000
NUM_FEATURES = 128
HIDDEN = 128
NUM_CLASSES = 2
N_CLIQUES = 50000
CLIQUE_K = 5


def setup_inputs(seed: int = 0) -> dict:
    key = jax.random.key(seed)
    ks = jax.random.split(key, 8)
    x = jax.random.normal(ks[0], (NUM_NODES, NUM_FEATURES), dtype=jnp.float32)
    cliques_r = jax.random.randint(ks[1], (N_CLIQUES, CLIQUE_K), 0, NUM_NODES, dtype=jnp.int32)
    cliques_s = jax.random.randint(ks[2], (N_CLIQUES, CLIQUE_K), 0, NUM_NODES, dtype=jnp.int32)
    # learned parameters
    node_features = jax.random.normal(ks[3], (NUM_NODES, NUM_FEATURES), dtype=jnp.float32)
    lin5_w = jax.random.normal(ks[4], (HIDDEN, NUM_FEATURES), dtype=jnp.float32) * (1.0 / np.sqrt(NUM_FEATURES))
    lin5_b = jnp.zeros((HIDDEN,), dtype=jnp.float32)
    lin6_w = jax.random.normal(ks[5], (NUM_CLASSES, HIDDEN), dtype=jnp.float32) * (1.0 / np.sqrt(HIDDEN))
    lin6_b = jnp.zeros((NUM_CLASSES,), dtype=jnp.float32)
    return {
        'x': x,
        'cliques_r': cliques_r,
        'cliques_s': cliques_s,
        'node_features': node_features,
        'lin5_w': lin5_w,
        'lin5_b': lin5_b,
        'lin6_w': lin6_w,
        'lin6_b': lin6_b,
    }


def _edge_pred(embed, lin5_w, lin5_b, lin6_w, lin6_b):
    # EdgePredNet: index_mapping collapses to identity positions, so
    # edge_index == [0, 1, ..., k-1]; x_i = clique row 0, x_j = clique row 1.
    x_i = embed[:, 0, :]
    x_j = embed[:, 1, :]
    h = jax.nn.relu((x_i * x_j) @ lin5_w.T + lin5_b)
    logits = h @ lin6_w.T + lin6_b
    return jax.nn.softmax(logits, axis=-1)


def reference(x, cliques_r, cliques_s, node_features, lin5_w, lin5_b, lin6_w, lin6_b):
    # forward ignores the input x and uses the learned node_features parameter
    xf = node_features
    cliques_r_embed = xf[cliques_r]  # gather: [Nr, k, F]
    cliques_s_embed = xf[cliques_s]  # gather: [Ns, k, F]
    edge_probs_r = _edge_pred(cliques_r_embed, lin5_w, lin5_b, lin6_w, lin6_b)  # [Nr, C]
    edge_probs_s = _edge_pred(cliques_s_embed, lin5_w, lin5_b, lin6_w, lin6_b)[:, None, :]  # [Ns, 1, C] (stack of 1-elem list)
    return (edge_probs_r, edge_probs_s)

if __name__ == "__main__":
    import jax
    _d = setup_inputs()
    print(jax.jit(kernel)(*tuple(_d.values())))

</pallas_src>

<mosaic_0001>
#map = affine_map<(d0, d1) -> (0, 0)>
#map1 = affine_map<(d0, d1) -> (0)>
#map2 = affine_map<(d0, d1) -> (0, 0, 0)>
module attributes {stable_mosaic.version = 14 : i64} {
  func.func @_sc_gather_body(%arg0: i32, %arg1: i32, %arg2: memref<100000x128xf32, #tpu.memory_space<hbm>>, %arg3: memref<212992xi32, #tpu.memory_space<hbm>>, %arg4: memref<2x106496x128xf32, #tpu.memory_space<hbm>>, %arg5: memref<6656xi32, #tpu.memory_space<vmem>>, %arg6: memref<128x128xf32, #tpu.memory_space<vmem>>, %arg7: memref<128x128xf32, #tpu.memory_space<vmem>>, %arg8: memref<!tpu.dma_semaphore, #tpu.memory_space<semaphore_mem>>, %arg9: memref<!tpu.dma_semaphore, #tpu.memory_space<semaphore_mem>>, %arg10: memref<!tpu.dma_semaphore, #tpu.memory_space<semaphore_mem>>, %arg11: memref<!tpu.dma_semaphore, #tpu.memory_space<semaphore_mem>>) attributes {dimension_semantics = [#tpu.dimension_semantics<core_parallel>, #tpu.dimension_semantics<subcore_parallel>], iteration_bounds = array<i64: 2, 16>, scalar_prefetch = 0 : i64, scratch_operands = 7 : i64, tpu.core_type = #tpu.core_type<sc_vector_subcore>, window_params = [{transform_indices = #map}, {transform_indices = #map1}, {transform_indices = #map2}]} {
    %mul3A = arith.constant 2 : i32
    %mul3A_0 = arith.muli %arg1, %mul3A : i32
    %add3A = arith.addi %mul3A_0, %arg0 : i32
    %mul3A_1 = arith.constant 3328 : i32
    %mul3A_2 = arith.muli %add3A, %mul3A_1 : i32
    "tpu.region"() ({
      %run_scoped3A = tpu.sem_alloc : memref<!tpu.dma_semaphore, #tpu.memory_space<semaphore_mem>>
      %dma_start3A_19 = arith.constant 0 : i32
      %dma_start3A_20 = tpu.memref_slice %arg5[%dma_start3A_19] : memref<6656xi32, #tpu.memory_space<vmem>> -> memref<3328xi32, #tpu.memory_space<vmem>>
      %dma_start3A_21 = tpu.memref_slice %arg3[%mul3A_2] : memref<212992xi32, #tpu.memory_space<hbm>> -> memref<3328xi32, #tpu.memory_space<hbm>>
      %dma_start3A_22 = arith.constant 0 : i32
      %dma_start3A_23 = tpu.memref_slice %arg5[%dma_start3A_22] : memref<6656xi32, #tpu.memory_space<vmem>> -> memref<3328xi32, #tpu.memory_space<vmem>>
      %dma_start3A_24 = tpu.memref_slice %arg3[%mul3A_2] : memref<212992xi32, #tpu.memory_space<hbm>> -> memref<3328xi32, #tpu.memory_space<hbm>>
      tpu.enqueue_dma source(%dma_start3A_24 : memref<3328xi32, #tpu.memory_space<hbm>>) target(%dma_start3A_23 : memref<3328xi32, #tpu.memory_space<vmem>>) target_semaphore(%run_scoped3A : memref<!tpu.dma_semaphore, #tpu.memory_space<semaphore_mem>>)
      %dma_wait3A = arith.constant 0 : i32
      %dma_wait3A_25 = tpu.memref_slice %arg5[%dma_wait3A] : memref<6656xi32, #tpu.memory_space<vmem>> -> memref<3328xi32, #tpu.memory_space<vmem>>
      %dma_wait3A_26 = tpu.memref_slice %arg3[%mul3A_2] : memref<212992xi32, #tpu.memory_space<hbm>> -> memref<3328xi32, #tpu.memory_space<hbm>>
      %dma_wait3A_27 = arith.constant 0 : i32
      %dma_wait3A_28 = tpu.memref_slice %arg5[%dma_wait3A_27] : memref<6656xi32, #tpu.memory_space<vmem>> -> memref<3328xi32, #tpu.memory_space<vmem>>
      %dma_wait3A_29 = tpu.memref_slice %arg3[%mul3A_2] : memref<212992xi32, #tpu.memory_space<hbm>> -> memref<3328xi32, #tpu.memory_space<hbm>>
      tpu.wait_dma2 semaphore(%run_scoped3A : memref<!tpu.dma_semaphore, #tpu.memory_space<semaphore_mem>>) src(%dma_wait3A_29 : memref<3328xi32, #tpu.memory_space<hbm>>) dst(%dma_wait3A_28 : memref<3328xi32, #tpu.memory_space<vmem>>)
      tpu.yield
    }) : () -> ()
    %add3A_3 = arith.constant 106496 : i32
    %add3A_4 = arith.addi %add3A_3, %mul3A_2 : i32
    "tpu.region"() ({
      %run_scoped3A = tpu.sem_alloc : memref<!tpu.dma_semaphore, #tpu.memory_space<semaphore_mem>>
      %dma_start3A_19 = arith.constant 3328 : i32
      %dma_start3A_20 = tpu.memref_slice %arg5[%dma_start3A_19] : memref<6656xi32, #tpu.memory_space<vmem>> -> memref<3328xi32, #tpu.memory_space<vmem>>
      %dma_start3A_21 = tpu.memref_slice %arg3[%add3A_4] : memref<212992xi32, #tpu.memory_space<hbm>> -> memref<3328xi32, #tpu.memory_space<hbm>>
      %dma_start3A_22 = arith.constant 3328 : i32
      %dma_start3A_23 = tpu.memref_slice %arg5[%dma_start3A_22] : memref<6656xi32, #tpu.memory_space<vmem>> -> memref<3328xi32, #tpu.memory_space<vmem>>
      %dma_start3A_24 = tpu.memref_slice %arg3[%add3A_4] : memref<212992xi32, #tpu.memory_space<hbm>> -> memref<3328xi32, #tpu.memory_space<hbm>>
      tpu.enqueue_dma source(%dma_start3A_24 : memref<3328xi32, #tpu.memory_space<hbm>>) target(%dma_start3A_23 : memref<3328xi32, #tpu.memory_space<vmem>>) target_semaphore(%run_scoped3A : memref<!tpu.dma_semaphore, #tpu.memory_space<semaphore_mem>>)
      %dma_wait3A = arith.constant 3328 : i32
      %dma_wait3A_25 = tpu.memref_slice %arg5[%dma_wait3A] : memref<6656xi32, #tpu.memory_space<vmem>> -> memref<3328xi32, #tpu.memory_space<vmem>>
      %dma_wait3A_26 = tpu.memref_slice %arg3[%add3A_4] : memref<212992xi32, #tpu.memory_space<hbm>> -> memref<3328xi32, #tpu.memory_space<hbm>>
      %dma_wait3A_27 = arith.constant 3328 : i32
      %dma_wait3A_28 = tpu.memref_slice %arg5[%dma_wait3A_27] : memref<6656xi32, #tpu.memory_space<vmem>> -> memref<3328xi32, #tpu.memory_space<vmem>>
      %dma_wait3A_29 = tpu.memref_slice %arg3[%add3A_4] : memref<212992xi32, #tpu.memory_space<hbm>> -> memref<3328xi32, #tpu.memory_space<hbm>>
      tpu.wait_dma2 semaphore(%run_scoped3A : memref<!tpu.dma_semaphore, #tpu.memory_space<semaphore_mem>>) src(%dma_wait3A_29 : memref<3328xi32, #tpu.memory_space<hbm>>) dst(%dma_wait3A_28 : memref<3328xi32, #tpu.memory_space<vmem>>)
      tpu.yield
    }) : () -> ()
    %dma_start3A = arith.constant 0 : i32
    %dma_start3A_5 = tpu.memref_slice %arg5[%dma_start3A] : memref<6656xi32, #tpu.memory_space<vmem>> -> memref<128xi32, #tpu.memory_space<vmem>>
    %dma_start3A_6 = arith.constant 0 : i32
    %dma_start3A_7 = arith.constant 0 : i32
    %dma_start3A_8 = tpu.memref_slice %arg2[%dma_start3A_6, %dma_start3A_7] : memref<100000x128xf32, #tpu.memory_space<hbm>> -> memref<100000x128xf32, #tpu.memory_space<hbm>>
    tpu.enqueue_indirect_dma source(%dma_start3A_8 : memref<100000x128xf32, #tpu.memory_space<hbm>>) target(%arg6 : memref<128x128xf32, #tpu.memory_space<vmem>>) offsets(%dma_start3A_5 : memref<128xi32, #tpu.memory_space<vmem>>) semaphore(%arg8 : memref<!tpu.dma_semaphore, #tpu.memory_space<semaphore_mem>>)
    %dma_start3A_9 = arith.constant 3328 : i32
    %dma_start3A_10 = tpu.memref_slice %arg5[%dma_start3A_9] : memref<6656xi32, #tpu.memory_space<vmem>> -> memref<128xi32, #tpu.memory_space<vmem>>
    %dma_start3A_11 = arith.constant 0 : i32
    %dma_start3A_12 = arith.constant 0 : i32
    %dma_start3A_13 = tpu.memref_slice %arg2[%dma_start3A_11, %dma_start3A_12] : memref<100000x128xf32, #tpu.memory_space<hbm>> -> memref<100000x128xf32, #tpu.memory_space<hbm>>
    tpu.enqueue_indirect_dma source(%dma_start3A_13 : memref<100000x128xf32, #tpu.memory_space<hbm>>) target(%arg7 : memref<128x128xf32, #tpu.memory_space<vmem>>) offsets(%dma_start3A_10 : memref<128xi32, #tpu.memory_space<vmem>>) semaphore(%arg9 : memref<!tpu.dma_semaphore, #tpu.memory_space<semaphore_mem>>)
    %scan3A = arith.constant 0 : i32
    %scan3A_14 = arith.constant 0 : i32
    %scan3A_15 = arith.constant 26 : i32
    %scan3A_16 = arith.addi %scan3A_14, %scan3A_15 : i32
    %scan3A_17 = arith.constant 1 : i32
    scf.for %scan3A_19 = %scan3A_14 to %scan3A_16 step %scan3A_17  : i32 {
      %mul3A_20 = arith.constant 128 : i32
      %mul3A_21 = arith.muli %scan3A_19, %mul3A_20 : i32
      %add3A_22 = arith.constant 0 : i32
      %add3A_23 = arith.addi %add3A_22, %mul3A_21 : i32
      %dma_wait3A = tpu.memref_slice %arg5[%add3A_23] : memref<6656xi32, #tpu.memory_space<vmem>> -> memref<128xi32, #tpu.memory_space<vmem>>
      %dma_wait3A_24 = arith.constant 0 : i32
      %dma_wait3A_25 = arith.constant 0 : i32
      %dma_wait3A_26 = tpu.memref_slice %arg2[%dma_wait3A_24, %dma_wait3A_25] : memref<100000x128xf32, #tpu.memory_space<hbm>> -> memref<100000x128xf32, #tpu.memory_space<hbm>>
      tpu.wait_indirect_dma semaphore(%arg8 : memref<!tpu.dma_semaphore, #tpu.memory_space<semaphore_mem>>) src(%dma_wait3A_26 : memref<100000x128xf32, #tpu.memory_space<hbm>>) dst(%arg6 : memref<128x128xf32, #tpu.memory_space<vmem>>)
      %mul3A_27 = arith.constant 128 : i32
      %mul3A_28 = arith.muli %scan3A_19, %mul3A_27 : i32
      %add3A_29 = arith.addi %mul3A_2, %mul3A_28 : i32
      %dma_start3A_30 = arith.constant 0 : i32
      %dma_start3A_31 = arith.constant 0 : i32
      %dma_start3A_32 = tpu.memref_slice %arg4[%dma_start3A_30, %add3A_29, %dma_start3A_31] : memref<2x106496x128xf32, #tpu.memory_space<hbm>> -> memref<1x128x128xf32, #tpu.memory_space<hbm>>
      %dma_start3A_33 = tpu.memref_squeeze %dma_start3A_32 : memref<1x128x128xf32, #tpu.memory_space<hbm>> -> memref<128x128xf32, #tpu.memory_space<hbm>>
      %dma_start3A_34 = arith.constant 0 : i32
      %dma_start3A_35 = tpu.memref_slice %arg4[%dma_start3A_30, %add3A_29, %dma_start3A_34] : memref<2x106496x128xf32, #tpu.memory_space<hbm>> -> memref<1x128x128xf32, #tpu.memory_space<hbm>>
      %dma_start3A_36 = tpu.memref_squeeze %dma_start3A_35 : memref<1x128x128xf32, #tpu.memory_space<hbm>> -> memref<128x128xf32, #tpu.memory_space<hbm>>
      tpu.enqueue_dma source(%arg6 : memref<128x128xf32, #tpu.memory_space<vmem>>) target(%dma_start3A_36 : memref<128x128xf32, #tpu.memory_space<hbm>>) target_semaphore(%arg10 : memref<!tpu.dma_semaphore, #tpu.memory_space<semaphore_mem>>)
      %mul3A_37 = arith.constant 128 : i32
      %mul3A_38 = arith.muli %scan3A_19, %mul3A_37 : i32
      %add3A_39 = arith.addi %mul3A_2, %mul3A_38 : i32
      %dma_wait3A_40 = arith.constant 0 : i32
      %dma_wait3A_41 = arith.constant 0 : i32
      %dma_wait3A_42 = tpu.memref_slice %arg4[%dma_wait3A_40, %add3A_39, %dma_wait3A_41] : memref<2x106496x128xf32, #tpu.memory_space<hbm>> -> memref<1x128x128xf32, #tpu.memory_space<hbm>>
      %dma_wait3A_43 = tpu.memref_squeeze %dma_wait3A_42 : memref<1x128x128xf32, #tpu.memory_space<hbm>> -> memref<128x128xf32, #tpu.memory_space<hbm>>
      %dma_wait3A_44 = arith.constant 0 : i32
      %dma_wait3A_45 = tpu.memref_slice %arg4[%dma_wait3A_40, %add3A_39, %dma_wait3A_44] : memref<2x106496x128xf32, #tpu.memory_space<hbm>> -> memref<1x128x128xf32, #tpu.memory_space<hbm>>
      %dma_wait3A_46 = tpu.memref_squeeze %dma_wait3A_45 : memref<1x128x128xf32, #tpu.memory_space<hbm>> -> memref<128x128xf32, #tpu.memory_space<hbm>>
      tpu.wait_dma2 semaphore(%arg10 : memref<!tpu.dma_semaphore, #tpu.memory_space<semaphore_mem>>) src(%arg6 : memref<128x128xf32, #tpu.memory_space<vmem>>) dst(%dma_wait3A_46 : memref<128x128xf32, #tpu.memory_space<hbm>>)
      %add3A_47 = arith.constant 1 : i32
      %add3A_48 = arith.addi %scan3A_19, %add3A_47 : i32
      %lt3A = arith.constant 26 : i32
      %lt3A_49 = arith.cmpi slt, %add3A_48, %lt3A : i32
      %convert_element_type3A = arith.extui %lt3A_49 : i1 to i32
      %cond3A = arith.constant 0 : i32
      %cond3A_50 = arith.cmpi ne, %convert_element_type3A, %cond3A : i32
      scf.if %cond3A_50 {
        %add3A_86 = arith.constant 1 : i32
        %add3A_87 = arith.addi %scan3A_19, %add3A_86 : i32
        %mul3A_88 = arith.constant 128 : i32
        %mul3A_89 = arith.muli %add3A_87, %mul3A_88 : i32
        %add3A_90 = arith.constant 0 : i32
        %add3A_91 = arith.addi %add3A_90, %mul3A_89 : i32
        %dma_start3A_92 = tpu.memref_slice %arg5[%add3A_91] : memref<6656xi32, #tpu.memory_space<vmem>> -> memref<128xi32, #tpu.memory_space<vmem>>
        %dma_start3A_93 = arith.constant 0 : i32
        %dma_start3A_94 = arith.constant 0 : i32
        %dma_start3A_95 = tpu.memref_slice %arg2[%dma_start3A_93, %dma_start3A_94] : memref<100000x128xf32, #tpu.memory_space<hbm>> -> memref<100000x128xf32, #tpu.memory_space<hbm>>
        tpu.enqueue_indirect_dma source(%dma_start3A_95 : memref<100000x128xf32, #tpu.memory_space<hbm>>) target(%arg6 : memref<128x128xf32, #tpu.memory_space<vmem>>) offsets(%dma_start3A_92 : memref<128xi32, #tpu.memory_space<vmem>>) semaphore(%arg8 : memref<!tpu.dma_semaphore, #tpu.memory_space<semaphore_mem>>)
      } else {
      }
      %mul3A_51 = arith.constant 128 : i32
      %mul3A_52 = arith.muli %scan3A_19, %mul3A_51 : i32
      %add3A_53 = arith.constant 3328 : i32
      %add3A_54 = arith.addi %add3A_53, %mul3A_52 : i32
      %dma_wait3A_55 = tpu.memref_slice %arg5[%add3A_54] : memref<6656xi32, #tpu.memory_space<vmem>> -> memref<128xi32, #tpu.memory_space<vmem>>
      %dma_wait3A_56 = arith.constant 0 : i32
      %dma_wait3A_57 = arith.constant 0 : i32
      %dma_wait3A_58 = tpu.memref_slice %arg2[%dma_wait3A_56, %dma_wait3A_57] : memref<100000x128xf32, #tpu.memory_space<hbm>> -> memref<100000x128xf32, #tpu.memory_space<hbm>>
      tpu.wait_indirect_dma semaphore(%arg9 : memref<!tpu.dma_semaphore, #tpu.memory_space<semaphore_mem>>) src(%dma_wait3A_58 : memref<100000x128xf32, #tpu.memory_space<hbm>>) dst(%arg7 : memref<128x128xf32, #tpu.memory_space<vmem>>)
      %mul3A_59 = arith.constant 128 : i32
      %mul3A_60 = arith.muli %scan3A_19, %mul3A_59 : i32
      %add3A_61 = arith.addi %mul3A_2, %mul3A_60 : i32
      %dma_start3A_62 = arith.constant 1 : i32
      %dma_start3A_63 = arith.constant 0 : i32
      %dma_start3A_64 = tpu.memref_slice %arg4[%dma_start3A_62, %add3A_61, %dma_start3A_63] : memref<2x106496x128xf32, #tpu.memory_space<hbm>> -> memref<1x128x128xf32, #tpu.memory_space<hbm>>
      %dma_start3A_65 = tpu.memref_squeeze %dma_start3A_64 : memref<1x128x128xf32, #tpu.memory_space<hbm>> -> memref<128x128xf32, #tpu.memory_space<hbm>>
      %dma_start3A_66 = arith.constant 0 : i32
      %dma_start3A_67 = tpu.memref_slice %arg4[%dma_start3A_62, %add3A_61, %dma_start3A_66] : memref<2x106496x128xf32, #tpu.memory_space<hbm>> -> memref<1x128x128xf32, #tpu.memory_space<hbm>>
      %dma_start3A_68 = tpu.memref_squeeze %dma_start3A_67 : memref<1x128x128xf32, #tpu.memory_space<hbm>> -> memref<128x128xf32, #tpu.memory_space<hbm>>
      tpu.enqueue_dma source(%arg7 : memref<128x128xf32, #tpu.memory_space<vmem>>) target(%dma_start3A_68 : memref<128x128xf32, #tpu.memory_space<hbm>>) target_semaphore(%arg11 : memref<!tpu.dma_semaphore, #tpu.memory_space<semaphore_mem>>)
      %mul3A_69 = arith.constant 128 : i32
      %mul3A_70 = arith.muli %scan3A_19, %mul3A_69 : i32
      %add3A_71 = arith.addi %mul3A_2, %mul3A_70 : i32
      %dma_wait3A_72 = arith.constant 1 : i32
      %dma_wait3A_73 = arith.constant 0 : i32
      %dma_wait3A_74 = tpu.memref_slice %arg4[%dma_wait3A_72, %add3A_71, %dma_wait3A_73] : memref<2x106496x128xf32, #tpu.memory_space<hbm>> -> memref<1x128x128xf32, #tpu.memory_space<hbm>>
      %dma_wait3A_75 = tpu.memref_squeeze %dma_wait3A_74 : memref<1x128x128xf32, #tpu.memory_space<hbm>> -> memref<128x128xf32, #tpu.memory_space<hbm>>
      %dma_wait3A_76 = arith.constant 0 : i32
      %dma_wait3A_77 = tpu.memref_slice %arg4[%dma_wait3A_72, %add3A_71, %dma_wait3A_76] : memref<2x106496x128xf32, #tpu.memory_space<hbm>> -> memref<1x128x128xf32, #tpu.memory_space<hbm>>
      %dma_wait3A_78 = tpu.memref_squeeze %dma_wait3A_77 : memref<1x128x128xf32, #tpu.memory_space<hbm>> -> memref<128x128xf32, #tpu.memory_space<hbm>>
      tpu.wait_dma2 semaphore(%arg11 : memref<!tpu.dma_semaphore, #tpu.memory_space<semaphore_mem>>) src(%arg7 : memref<128x128xf32, #tpu.memory_space<vmem>>) dst(%dma_wait3A_78 : memref<128x128xf32, #tpu.memory_space<hbm>>)
      %add3A_79 = arith.constant 1 : i32
      %add3A_80 = arith.addi %scan3A_19, %add3A_79 : i32
      %lt3A_81 = arith.constant 26 : i32
      %lt3A_82 = arith.cmpi slt, %add3A_80, %lt3A_81 : i32
      %convert_element_type3A_83 = arith.extui %lt3A_82 : i1 to i32
      %cond3A_84 = arith.constant 0 : i32
      %cond3A_85 = arith.cmpi ne, %convert_element_type3A_83, %cond3A_84 : i32
      scf.if %cond3A_85 {
        %add3A_86 = arith.constant 1 : i32
        %add3A_87 = arith.addi %scan3A_19, %add3A_86 : i32
        %mul3A_88 = arith.constant 128 : i32
        %mul3A_89 = arith.muli %add3A_87, %mul3A_88 : i32
        %add3A_90 = arith.constant 3328 : i32
        %add3A_91 = arith.addi %add3A_90, %mul3A_89 : i32
        %dma_start3A_92 = tpu.memref_slice %arg5[%add3A_91] : memref<6656xi32, #tpu.memory_space<vmem>> -> memref<128xi32, #tpu.memory_space<vmem>>
        %dma_start3A_93 = arith.constant 0 : i32
        %dma_start3A_94 = arith.constant 0 : i32
        %dma_start3A_95 = tpu.memref_slice %arg2[%dma_start3A_93, %dma_start3A_94] : memref<100000x128xf32, #tpu.memory_space<hbm>> -> memref<100000x128xf32, #tpu.memory_space<hbm>>
        tpu.enqueue_indirect_dma source(%dma_start3A_95 : memref<100000x128xf32, #tpu.memory_space<hbm>>) target(%arg7 : memref<128x128xf32, #tpu.memory_space<vmem>>) offsets(%dma_start3A_92 : memref<128xi32, #tpu.memory_space<vmem>>) semaphore(%arg9 : memref<!tpu.dma_semaphore, #tpu.memory_space<semaphore_mem>>)
      } else {
      }
    }
    %scan3A_18 = arith.constant 26 : i32
    return
  }
}

module attributes {stable_mosaic.version = 14 : i64} {
  func.func @_mlp_body_r(%arg0: i32, %arg1: memref<2x2000x128xf32, #tpu.memory_space<vmem>>, %arg2: memref<128x128xf32, #tpu.memory_space<vmem>>, %arg3: memref<1x128xf32, #tpu.memory_space<vmem>>, %arg4: memref<2x128xf32, #tpu.memory_space<vmem>>, %arg5: memref<1x2xf32, #tpu.memory_space<vmem>>, %arg6: memref<2000x2xf32, #tpu.memory_space<vmem>>) attributes {dimension_semantics = [#tpu.dimension_semantics<arbitrary>], iteration_bounds = array<i64: 25>, scalar_prefetch = 0 : i64, scratch_operands = 0 : i64, tpu.core_type = #tpu.core_type<tc>, window_params = [{transform_indices = @transform_0, window_bounds = array<i64: 2, 2000, 128>}, {pipeline_mode = #tpu.pipeline_mode<synchronous>, transform_indices = @transform_1, window_bounds = array<i64: 128, 128>}, {pipeline_mode = #tpu.pipeline_mode<synchronous>, transform_indices = @transform_2, window_bounds = array<i64: 1, 128>}, {pipeline_mode = #tpu.pipeline_mode<synchronous>, transform_indices = @transform_3, window_bounds = array<i64: 2, 128>}, {pipeline_mode = #tpu.pipeline_mode<synchronous>, transform_indices = @transform_4, window_bounds = array<i64: 1, 2>}, {transform_indices = @transform_5, window_bounds = array<i64: 2000, 2>}]} {
    %get3A = arith.constant 0 : index
    %get3A_0 = arith.constant 0 : index
    %get3A_1 = arith.constant 0 : index
    %get3A_2 = vector.load %arg1[%get3A, %get3A_0, %get3A_1] : memref<2x2000x128xf32, #tpu.memory_space<vmem>>, vector<1x2000x128xf32>
    %get3A_3 = vector.shape_cast %get3A_2 : vector<1x2000x128xf32> to vector<2000x128xf32>
    %get3A_4 = arith.constant 1 : index
    %get3A_5 = arith.constant 0 : index
    %get3A_6 = arith.constant 0 : index
    %get3A_7 = vector.load %arg1[%get3A_4, %get3A_5, %get3A_6] : memref<2x2000x128xf32, #tpu.memory_space<vmem>>, vector<1x2000x128xf32>
    %get3A_8 = vector.shape_cast %get3A_7 : vector<1x2000x128xf32> to vector<2000x128xf32>
    %mul3A = arith.mulf %get3A_3, %get3A_8 : vector<2000x128xf32>
    %get3A_9 = arith.constant 0 : index
    %get3A_10 = arith.constant 0 : index
    %get3A_11 = vector.load %arg2[%get3A_9, %get3A_10] : memref<128x128xf32, #tpu.memory_space<vmem>>, vector<128x128xf32>
    %dot_general3A = arith.constant dense<0.000000e+00> : vector<2000x128xf32>
    %dot_general3A_12 = tpu.matmul %mul3A, %get3A_11, %dot_general3A {dimension_numbers = #tpu.dot_dimension_numbers<[1], [1], [0], [0], [0, 0, 1, 0], [], []>, transpose_lhs_hint = false} : vector<2000x128xf32>, vector<128x128xf32>, vector<2000x128xf32> -> vector<2000x128xf32>
    %get3A_13 = arith.constant 0 : index
    %get3A_14 = arith.constant 0 : index
    %get3A_15 = vector.load %arg3[%get3A_13, %get3A_14] : memref<1x128xf32, #tpu.memory_space<vmem>>, vector<1x128xf32>
    %add3A = vector.broadcast %get3A_15 : vector<1x128xf32> to vector<2000x128xf32>
    %add3A_16 = arith.addf %dot_general3A_12, %add3A : vector<2000x128xf32>
    %max3A = arith.constant 0.000000e+00 : f32
    %max3A_17 = vector.broadcast %max3A : f32 to vector<2000x128xf32>
    %max3A_18 = arith.maximumf %add3A_16, %max3A_17 : vector<2000x128xf32>
    %get3A_19 = arith.constant 0 : index
    %get3A_20 = arith.constant 0 : index
    %get3A_21 = vector.load %arg4[%get3A_19, %get3A_20] : memref<2x128xf32, #tpu.memory_space<vmem>>, vector<2x128xf32>
    %dot_general3A_22 = arith.constant dense<0.000000e+00> : vector<2000x2xf32>
    %dot_general3A_23 = tpu.matmul %max3A_18, %get3A_21, %dot_general3A_22 {dimension_numbers = #tpu.dot_dimension_numbers<[1], [1], [0], [0], [0, 0, 1, 0], [], []>, transpose_lhs_hint = false} : vector<2000x128xf32>, vector<2x128xf32>, vector<2000x2xf32> -> vector<2000x2xf32>
    %get3A_24 = arith.constant 0 : index
    %get3A_25 = arith.constant 0 : index
    %get3A_26 = vector.load %arg5[%get3A_24, %get3A_25] : memref<1x2xf32, #tpu.memory_space<vmem>>, vector<1x2xf32>
    %add3A_27 = vector.broadcast %get3A_26 : vector<1x2xf32> to vector<2000x2xf32>
    %add3A_28 = arith.addf %dot_general3A_23, %add3A_27 : vector<2000x2xf32>
    %reduce_max3A = arith.constant dense<0xFF800000> : vector<2000xf32>
    %reduce_max3A_29 = vector.multi_reduction <maximumf>, %add3A_28, %reduce_max3A [1] : vector<2000x2xf32> to vector<2000xf32>
    %broadcast_in_dim3A = vector.shape_cast %reduce_max3A_29 : vector<2000xf32> to vector<2000x1xf32>
    %sub3A = vector.broadcast %broadcast_in_dim3A : vector<2000x1xf32> to vector<2000x2xf32>
    %sub3A_30 = arith.subf %add3A_28, %sub3A : vector<2000x2xf32>
    %exp3A = math.exp %sub3A_30 : vector<2000x2xf32>
    %reduce_sum3A = arith.constant dense<0.000000e+00> : vector<2000xf32>
    %reduce_sum3A_31 = vector.multi_reduction <add>, %exp3A, %reduce_sum3A [1] : vector<2000x2xf32> to vector<2000xf32>
    %broadcast_in_dim3A_32 = vector.shape_cast %reduce_sum3A_31 : vector<2000xf32> to vector<2000x1xf32>
    %div3A = vector.broadcast %broadcast_in_dim3A_32 : vector<2000x1xf32> to vector<2000x2xf32>
    %div3A_33 = arith.divf %exp3A, %div3A : vector<2000x2xf32>
    %swap3A = arith.constant 0 : index
    %swap3A_34 = arith.constant 0 : index
    %swap3A_35 = vector.load %arg6[%swap3A, %swap3A_34] : memref<2000x2xf32, #tpu.memory_space<vmem>>, vector<2000x2xf32>
    tpu.vector_store %arg6[%swap3A, %swap3A_34], %div3A_33 {strides = array<i32>} : memref<2000x2xf32, #tpu.memory_space<vmem>>, vector<2000x2xf32>,
    return
  }
  func.func @transform_0(%arg0: i32) -> (i32, i32, i32) {
    %add3A = arith.constant 0 : i32
    %add3A_0 = arith.addi %arg0, %add3A : i32
    %c0_i32 = arith.constant 0 : i32
    %c0_i32_1 = arith.constant 0 : i32
    %c0_i32_2 = arith.constant 0 : i32
    return %c0_i32, %add3A_0, %c0_i32_1 : i32, i32, i32
  }
  func.func @transform_1(%arg0: i32) -> (i32, i32) {
    %c0_i32 = arith.constant 0 : i32
    %c0_i32_0 = arith.constant 0 : i32
    %c0_i32_1 = arith.constant 0 : i32
    return %c0_i32, %c0_i32_0 : i32, i32
  }
  func.func @transform_2(%arg0: i32) -> (i32, i32) {
    %c0_i32 = arith.constant 0 : i32
    %c0_i32_0 = arith.constant 0 : i32
    %c0_i32_1 = arith.constant 0 : i32
    return %c0_i32, %c0_i32_0 : i32, i32
  }
  func.func @transform_3(%arg0: i32) -> (i32, i32) {
    %c0_i32 = arith.constant 0 : i32
    %c0_i32_0 = arith.constant 0 : i32
    %c0_i32_1 = arith.constant 0 : i32
    return %c0_i32, %c0_i32_0 : i32, i32
  }
  func.func @transform_4(%arg0: i32) -> (i32, i32) {
    %c0_i32 = arith.constant 0 : i32
    %c0_i32_0 = arith.constant 0 : i32
    %c0_i32_1 = arith.constant 0 : i32
    return %c0_i32, %c0_i32_0 : i32, i32
  }
  func.func @transform_5(%arg0: i32) -> (i32, i32) {
    %c0_i32 = arith.constant 0 : i32
    %c0_i32_0 = arith.constant 0 : i32
    return %arg0, %c0_i32 : i32, i32
  }
}

module attributes {stable_mosaic.version = 14 : i64} {
  func.func @_mlp_body_s(%arg0: i32, %arg1: memref<2x2000x128xf32, #tpu.memory_space<vmem>>, %arg2: memref<128x128xf32, #tpu.memory_space<vmem>>, %arg3: memref<1x128xf32, #tpu.memory_space<vmem>>, %arg4: memref<2x128xf32, #tpu.memory_space<vmem>>, %arg5: memref<1x2xf32, #tpu.memory_space<vmem>>, %arg6: memref<2000x2xf32, #tpu.memory_space<vmem>>) attributes {dimension_semantics = [#tpu.dimension_semantics<arbitrary>], iteration_bounds = array<i64: 25>, scalar_prefetch = 0 : i64, scratch_operands = 0 : i64, tpu.core_type = #tpu.core_type<tc>, window_params = [{transform_indices = @transform_0, window_bounds = array<i64: 2, 2000, 128>}, {pipeline_mode = #tpu.pipeline_mode<synchronous>, transform_indices = @transform_1, window_bounds = array<i64: 128, 128>}, {pipeline_mode = #tpu.pipeline_mode<synchronous>, transform_indices = @transform_2, window_bounds = array<i64: 1, 128>}, {pipeline_mode = #tpu.pipeline_mode<synchronous>, transform_indices = @transform_3, window_bounds = array<i64: 2, 128>}, {pipeline_mode = #tpu.pipeline_mode<synchronous>, transform_indices = @transform_4, window_bounds = array<i64: 1, 2>}, {transform_indices = @transform_5, window_bounds = array<i64: 2000, 2>}]} {
    %get3A = arith.constant 0 : index
    %get3A_0 = arith.constant 0 : index
    %get3A_1 = arith.constant 0 : index
    %get3A_2 = vector.load %arg1[%get3A, %get3A_0, %get3A_1] : memref<2x2000x128xf32, #tpu.memory_space<vmem>>, vector<1x2000x128xf32>
    %get3A_3 = vector.shape_cast %get3A_2 : vector<1x2000x128xf32> to vector<2000x128xf32>
    %get3A_4 = arith.constant 1 : index
    %get3A_5 = arith.constant 0 : index
    %get3A_6 = arith.constant 0 : index
    %get3A_7 = vector.load %arg1[%get3A_4, %get3A_5, %get3A_6] : memref<2x2000x128xf32, #tpu.memory_space<vmem>>, vector<1x2000x128xf32>
    %get3A_8 = vector.shape_cast %get3A_7 : vector<1x2000x128xf32> to vector<2000x128xf32>
    %mul3A = arith.mulf %get3A_3, %get3A_8 : vector<2000x128xf32>
    %get3A_9 = arith.constant 0 : index
    %get3A_10 = arith.constant 0 : index
    %get3A_11 = vector.load %arg2[%get3A_9, %get3A_10] : memref<128x128xf32, #tpu.memory_space<vmem>>, vector<128x128xf32>
    %dot_general3A = arith.constant dense<0.000000e+00> : vector<2000x128xf32>
    %dot_general3A_12 = tpu.matmul %mul3A, %get3A_11, %dot_general3A {dimension_numbers = #tpu.dot_dimension_numbers<[1], [1], [0], [0], [0, 0, 1, 0], [], []>, transpose_lhs_hint = false} : vector<2000x128xf32>, vector<128x128xf32>, vector<2000x128xf32> -> vector<2000x128xf32>
    %get3A_13 = arith.constant 0 : index
    %get3A_14 = arith.constant 0 : index
    %get3A_15 = vector.load %arg3[%get3A_13, %get3A_14] : memref<1x128xf32, #tpu.memory_space<vmem>>, vector<1x128xf32>
    %add3A = vector.broadcast %get3A_15 : vector<1x128xf32> to vector<2000x128xf32>
    %add3A_16 = arith.addf %dot_general3A_12, %add3A : vector<2000x128xf32>
    %max3A = arith.constant 0.000000e+00 : f32
    %max3A_17 = vector.broadcast %max3A : f32 to vector<2000x128xf32>
    %max3A_18 = arith.maximumf %add3A_16, %max3A_17 : vector<2000x128xf32>
    %get3A_19 = arith.constant 0 : index
    %get3A_20 = arith.constant 0 : index
    %get3A_21 = vector.load %arg4[%get3A_19, %get3A_20] : memref<2x128xf32, #tpu.memory_space<vmem>>, vector<2x128xf32>
    %dot_general3A_22 = arith.constant dense<0.000000e+00> : vector<2000x2xf32>
    %dot_general3A_23 = tpu.matmul %max3A_18, %get3A_21, %dot_general3A_22 {dimension_numbers = #tpu.dot_dimension_numbers<[1], [1], [0], [0], [0, 0, 1, 0], [], []>, transpose_lhs_hint = false} : vector<2000x128xf32>, vector<2x128xf32>, vector<2000x2xf32> -> vector<2000x2xf32>
    %get3A_24 = arith.constant 0 : index
    %get3A_25 = arith.constant 0 : index
    %get3A_26 = vector.load %arg5[%get3A_24, %get3A_25] : memref<1x2xf32, #tpu.memory_space<vmem>>, vector<1x2xf32>
    %add3A_27 = vector.broadcast %get3A_26 : vector<1x2xf32> to vector<2000x2xf32>
    %add3A_28 = arith.addf %dot_general3A_23, %add3A_27 : vector<2000x2xf32>
    %reduce_max3A = arith.constant dense<0xFF800000> : vector<2000xf32>
    %reduce_max3A_29 = vector.multi_reduction <maximumf>, %add3A_28, %reduce_max3A [1] : vector<2000x2xf32> to vector<2000xf32>
    %broadcast_in_dim3A = vector.shape_cast %reduce_max3A_29 : vector<2000xf32> to vector<2000x1xf32>
    %sub3A = vector.broadcast %broadcast_in_dim3A : vector<2000x1xf32> to vector<2000x2xf32>
    %sub3A_30 = arith.subf %add3A_28, %sub3A : vector<2000x2xf32>
    %exp3A = math.exp %sub3A_30 : vector<2000x2xf32>
    %reduce_sum3A = arith.constant dense<0.000000e+00> : vector<2000xf32>
    %reduce_sum3A_31 = vector.multi_reduction <add>, %exp3A, %reduce_sum3A [1] : vector<2000x2xf32> to vector<2000xf32>
    %broadcast_in_dim3A_32 = vector.shape_cast %reduce_sum3A_31 : vector<2000xf32> to vector<2000x1xf32>
    %div3A = vector.broadcast %broadcast_in_dim3A_32 : vector<2000x1xf32> to vector<2000x2xf32>
    %div3A_33 = arith.divf %exp3A, %div3A : vector<2000x2xf32>
    %swap3A = arith.constant 0 : index
    %swap3A_34 = arith.constant 0 : index
    %swap3A_35 = vector.load %arg6[%swap3A, %swap3A_34] : memref<2000x2xf32, #tpu.memory_space<vmem>>, vector<2000x2xf32>
    tpu.vector_store %arg6[%swap3A, %swap3A_34], %div3A_33 {strides = array<i32>} : memref<2000x2xf32, #tpu.memory_space<vmem>>, vector<2000x2xf32>,
    return
  }
  func.func @transform_0(%arg0: i32) -> (i32, i32, i32) {
    %add3A = arith.constant 25 : i32
    %add3A_0 = arith.addi %arg0, %add3A : i32
    %c0_i32 = arith.constant 0 : i32
    %c0_i32_1 = arith.constant 0 : i32
    %c0_i32_2 = arith.constant 0 : i32
    return %c0_i32, %add3A_0, %c0_i32_1 : i32, i32, i32
  }
  func.func @transform_1(%arg0: i32) -> (i32, i32) {
    %c0_i32 = arith.constant 0 : i32
    %c0_i32_0 = arith.constant 0 : i32
    %c0_i32_1 = arith.constant 0 : i32
    return %c0_i32, %c0_i32_0 : i32, i32
  }
  func.func @transform_2(%arg0: i32) -> (i32, i32) {
    %c0_i32 = arith.constant 0 : i32
    %c0_i32_0 = arith.constant 0 : i32
    %c0_i32_1 = arith.constant 0 : i32
    return %c0_i32, %c0_i32_0 : i32, i32
  }
  func.func @transform_3(%arg0: i32) -> (i32, i32) {
    %c0_i32 = arith.constant 0 : i32
    %c0_i32_0 = arith.constant 0 : i32
    %c0_i32_1 = arith.constant 0 : i32
    return %c0_i32, %c0_i32_0 : i32, i32
  }
  func.func @transform_4(%arg0: i32) -> (i32, i32) {
    %c0_i32 = arith.constant 0 : i32
    %c0_i32_0 = arith.constant 0 : i32
    %c0_i32_1 = arith.constant 0 : i32
    return %c0_i32, %c0_i32_0 : i32, i32
  }
  func.func @transform_5(%arg0: i32) -> (i32, i32) {
    %c0_i32 = arith.constant 0 : i32
    %c0_i32_0 = arith.constant 0 : i32
    return %arg0, %c0_i32 : i32, i32
  }
}

</mosaic_0001>

<sc_bundles>
// kernel: kernel.5.cloned.1.call-start
scs
__scs_entry_jumppad:
0x0: {  	(pc) =	sbr.rel $0x88, $3  }
0x1: {  	(tag) =	ssettag $0x0;
	lr =	simm.s32 $0x1  }
0x2: {  	[smem:$0x3F9A] =	sst lr;
	_ =	strace $0xD0000000  }
0x3: {  	_ = 	snop  }
0x4: {  	_ = 	snop  }
0x5: {  	_ = 	snop  }
0x6: {  	_ = 	snop  }
0x7: {  	_ = 	snop  }
__scs_overlays_trampoline_lowered:
0x8: {  	[smem:$0x3FA9] =	sst s0  }
0x9: {  	[smem:$0x3FAA] =	sst s1  }
0xa: {  	[smem:$0x3FAB] =	sst s2  }
0xb: {  	[smem:$0x3FAC] =	sst s3  }
0xc: {  	[smem:$0x3FAD] =	sst s4  }
0xd: {  	[smem:$0x3FAE] =	sst s5  }
0xe: {  	[smem:$0x3FAF] =	sst s6  }
0xf: {  	[smem:$0x3FB0] =	sst s7  }
0x10: {  	[smem:$0x3FB1] =	sst s8  }
0x11: {  	[smem:$0x3FB2] =	sst s9;
	s0 =	simm.s32 @!p0 $0x0  }
0x12: {  	s1 =	sld [smem:$0x3F98];
	s0 =	simm.s32 @p0 $0x1  }
0x13: {  	[smem:$0x3FB3] =	sst s0;
	s0 =	simm.s32 @!p1 $0x0  }
0x14: {  	s2 =	sld [smem:$0x3F97];
	s0 =	simm.s32 @p1 $0x1  }
0x15: {  	[smem:$0x3FB4] =	sst s0;
	s0 =	simm.s32 @!p2 $0x0  }
0x16: {  	s3 =	sld [smem:$0x3FDB];
	s0 =	simm.s32 @p2 $0x1  }
0x17: {  	s4 =	simm.s32 $0x1BF5;
	[smem:$0x3FB6] =	sst s0  }
0x18: {  	s0 =	sld [smem:$0x3F99];
	_ =	swait.ge [sflag:s4], $0x0  }
0x19: {  	s7 =	sld [smem:$0x3F9A]  }
0x1a: {  	s8 =	sadd.s32 $0xFFFFE003, lr  }
0x1b: {  	s9 =	sadd.s32 $0xFFFFFEF7, lr;
	s5 =	simm.s32 $0xFFFFFFFF;
	p2 =	slt.u32 s8, $0xFFFFF086  }
0x1c: {  	p1 =	slt.u32 s9, $0xF7A;
	s5 =	simm.s32 @!p2 $0x0  }
0x1d: {  	s5 =	simm.s32 @p1 $0x1;
	p0 =	seq.s32 s7, s2  }
0x1e: {  	s7 =	smul.u32 @!p0 $0xF7A, s2;
	p2 =	seq.s32 @!p0 s5, $0x0  }
0x1f: {  	s9 =	smul.u32 $0xF7A, s1;
	s8 =	simm.s32 @!p0 $0x1BF5;
	p2 =	por !p2, p0  }
0x20: {  	[sflag:s8] =	ssyncset.s32 @!p0 $0xFFFFF086;
	s6 =	sadd.s32 @!p0 s3, s7;
	s7 =	simm.s32 @!p0 $0x108  }
0x21: {  	s3 =	sadd.s32 s3, s9;
	s6 =	sadd.s32 @!p0 $0x88, s6;
	s7 =	simm.s32 @p2 $0x1082  }
0x22: {  	[simem:s7], [sflag:s8] =	dma.local @!p0 [hbm:s6], $0xF7A  }
0x23: {  	s9 =	sor.u32 $0xD0000000, s2;
	s6 =	simm.s32 $0x108;
	_ =	swait.ge @!p0 [sflag:s8], $0x0  }
0x24: {  	s3 =	sadd.s32 $0x88, s3;
	s6 =	simm.s32 @!p1 $0x1082;
	[sflag:s4] =	ssyncset.s32 $0xFFFFF086  }
0x25: {  	[simem:s6], [sflag:s4] =	dma.local [hbm:s3], $0xF7A  }
0x26: {  	[smem:$0x3F9A] =	sst s1;
	(tag) =	ssettag s2;
	_ =	strace s9  }
0x27: {  	s1 =	sld [smem:$0x3FAA]  }
0x28: {  	s2 =	sld [smem:$0x3FAB]  }
0x29: {  	s4 =	sld [smem:$0x3FAD]  }
0x2a: {  	p0 =	seq.s32 s5, $0x0;
	s5 =	sld [smem:$0x3FAE]  }
0x2b: {  	s6 =	sld [smem:$0x3FAF]  }
0x2c: {  	s7 =	sld [smem:$0x3FB0]  }
0x2d: {  	s3 =	simm.s32 $0x108;
	s8 =	sld [smem:$0x3FB1]  }
0x2e: {  	s3 =	simm.s32 @!p0 $0x1082;
	s9 =	sld [smem:$0x3FB2]  }
0x2f: {  	lr =	sadd.s32 s0, s3;
	s0 =	sld [smem:$0x3FA9]  }
0x30: {  	s3 =	sld [smem:$0x3FAC]  }
0x31: {  	[smem:$0x3FB5] =	sst s10  }
0x32: {  	s10 =	sld [smem:$0x3FB3];
	_ =	sdelay $0x3  }
0x33: {  	p0 =	seq.s32 s10, $0x1;
	s10 =	sld [smem:$0x3FB5];
	_ =	sdelay $0x3  }
0x34: {  	[smem:$0x3FB5] =	sst s10  }
0x35: {  	s10 =	sld [smem:$0x3FB4];
	_ =	sdelay $0x3  }
0x36: {  	p1 =	seq.s32 s10, $0x1;
	s10 =	sld [smem:$0x3FB5];
	_ =	sdelay $0x3  }
0x37: {  	[smem:$0x3FB5] =	sst s10  }
0x38: {  	s10 =	sld [smem:$0x3FB6]  }
0x39: {  	_ = 	snop;
	(pc) =	sbr.ind lr, $3  }
0x3a: {  	_ = 	snop  }
0x3b: {  	_ = 	snop  }
0x3c: {  	p2 =	seq.s32 s10, $0x1;
	s10 =	sld [smem:$0x3FB5]  }
0x3d: {  	_ =	shalt  }
0x3e: {  	_ =	shalt  }
0x3f: {  	_ =	shalt  }
0x40: {  	_ =	shalt  }
0x41: {  	_ =	shalt  }
0x42: {  	_ =	shalt  }
0x43: {  	_ =	shalt  }
0x44: {  	_ =	shalt  }
0x45: {  	_ =	shalt  }
0x46: {  	_ =	shalt  }
0x47: {  	_ =	shalt  }
0x48: {  	_ =	shalt  }
0x49: {  	_ =	shalt  }
0x4a: {  	_ =	shalt  }
0x4b: {  	_ =	shalt  }
0x4c: {  	_ =	shalt  }
0x4d: {  	_ =	shalt  }
0x4e: {  	_ =	shalt  }
0x4f: {  	_ =	shalt  }
0x50: {  	_ =	shalt  }
0x51: {  	_ =	shalt  }
0x52: {  	_ =	shalt  }
0x53: {  	_ =	shalt  }
0x54: {  	_ =	shalt  }
0x55: {  	_ =	shalt  }
0x56: {  	_ =	shalt  }
0x57: {  	_ =	shalt  }
0x58: {  	_ =	shalt  }
0x59: {  	_ =	shalt  }
0x5a: {  	_ =	shalt  }
0x5b: {  	_ =	shalt  }
0x5c: {  	_ =	shalt  }
0x5d: {  	_ =	shalt  }
0x5e: {  	_ =	shalt  }
0x5f: {  	_ =	shalt  }
0x60: {  	_ =	shalt  }
0x61: {  	_ =	shalt  }
0x62: {  	_ =	shalt  }
0x63: {  	_ =	shalt  }
0x64: {  	_ =	shalt  }
0x65: {  	_ =	shalt  }
0x66: {  	_ =	shalt  }
0x67: {  	_ =	shalt  }
0x68: {  	_ =	shalt  }
0x69: {  	_ =	shalt  }
0x6a: {  	_ =	shalt  }
0x6b: {  	_ =	shalt  }
0x6c: {  	_ =	shalt  }
0x6d: {  	_ =	shalt  }
0x6e: {  	_ =	shalt  }
0x6f: {  	_ =	shalt  }
0x70: {  	_ =	shalt  }
0x71: {  	_ =	shalt  }
0x72: {  	_ =	shalt  }
0x73: {  	_ =	shalt  }
0x74: {  	_ =	shalt  }
0x75: {  	_ =	shalt  }
0x76: {  	_ =	shalt  }
0x77: {  	_ =	shalt  }
0x78: {  	_ =	shalt  }
0x79: {  	_ =	shalt  }
0x7a: {  	_ =	shalt  }
0x7b: {  	_ =	shalt  }
0x7c: {  	_ =	shalt  }
0x7d: {  	_ =	shalt  }
0x7e: {  	_ =	shalt  }
0x7f: {  	_ =	shalt  }
0x80: {  	_ =	shalt  }
0x81: {  	_ =	shalt  }
0x82: {  	_ =	shalt  }
0x83: {  	_ =	shalt  }
0x84: {  	_ =	shalt  }
0x85: {  	_ =	shalt  }
0x86: {  	_ =	shalt  }
0x87: {  	_ =	shalt  }
.Lfunc_end0:
.L_simem_size_0:
called_computation_lowered:
.L_overlay_start_0:
0x88: {  	s2 =	sld [smem:$0x3FD9]  }
0x89: {  	s3 =	sld [smem:$0x3FFE];
	_ =	sdelay $0x1  }
0x8a: {  	s1 =	srdreg.scid  }
0x8b: {  	s0 =	sand.u32 $0x1, s1  }
0x8c: {  	s17 =	sshll.u32 s0, $0xA;
	s2 =	sadd.s32 s3, s2  }
0x8d: {  	s2 =	sadd.s32 s2, s17  }
0x8e: {  	[smem:$0x3FC1] =	sst s2  }
0x8f: {  	_ = 	snop  }
0x90: {  	s2 =	sld [smem:$0x3FC7];
	(tm) =	ssettm $0x1  }
0x91: {  	s18 =	sld [smem:$0x3FFB];
	_ =	sdelay $0x3  }
0x92: {  	_ =	strace s18  }
0x93: {  	s3 =	sld [smem:$0x3FFC];
	_ =	sdelay $0x3  }
0x94: {  	_ =	strace s3  }
0x95: {  	s3 =	sld [smem:$0x3FFD];
	_ =	sdelay $0x3  }
0x96: {  	_ =	strace s3  }
0x97: {  	_ =	strace $0x8FFFFFFF  }
0x98: {  	s19 =	sld [smem:$0x3FDB];
	_ =	sdelay $0x1  }
0x99: {  	s4 =	simm.s32 $_scs_section_size  }
0x9a: {  	s5 =	simm.s32 $_size__tile_overlayer_lowered;
	s6 =	simm.s32 $_tile_overlayer_lowered  }
0x9b: {  	s22 =	simm.s32 $0x1BFF;
	s21 =	sshll.u32 s6, $0x1;
	s3 =	sadd.s32 s4, s19  }
0x9c: {  	s7 =	simm.s32 $0x0;
	s20 =	sshll.u32 s5, $0x1;
	s5 =	sadd.s32 s21, s3  }
0x9d: {  	[timem:s7], [sflag:s22] =	dma.local [hbm:s5], s20  }
0x9e: {  	_ =	swait.ge [sflag:s22], s20  }
0x9f: {  	s4 =	ssub.s32 $0x0, s20;
	[sflag:s22] =	ssyncset.done $0x0  }
0xa0: {  	[sflag:s22] =	ssyncadd.s32 s4;
	_ =	sdelay $0x1  }
0xa1: {  	s23 =	simm.s32 $0x1B8B  }
0xa2: {  	_ =	swait.ge [sflag:s23], $0x1  }
0xa3: {  	[sflag:s23] =	ssyncset.done $0x0  }
0xa4: {  	s25 =	simm.s32 $0x1B8E;
	s24 =	sld [smem:$0x3FFE];
	[sflag:s23] =	ssyncadd.s32 $0xFFFFFFFF  }
0xa5: {  	s26 =	simm.s32 $execute0_lowered;
	[smem:$0x3FD2] =	sst s25  }
0xa6: {  	s5 =	sshll.u32 s26, $0x1;
	_ =	strace $0x80000046;
	[dreg:$0x1] =	wrdreg $0xFFFFFFFF  }
0xa7: {  	s28 =	simm.s32 $_size_execute0_lowered;
	s3 =	sadd.s32 s3, s5;
	[dreg:$0x0] =	wrdreg $0x0  }
0xa8: {  	s5 =	sshll.u32 s28, $0x1;
	[dreg:$0x2] =	wrdreg s3  }
0xa9: {  	[dreg:$0x3] =	wrdreg s5  }
0xaa: {  	[dreg:$0x4] =	wrdreg $0xC0  }
0xab: {  	_ =	task [dreg:s7], $0x5FFFF  }
0xac: {  	[dreg:$0x1] =	wrdreg $0xFFFFFFFF  }
0xad: {  	[dreg:$0x0] =	wrdreg $0x60  }
0xae: {  	[dreg:$0x2] =	wrdreg s2  }
0xaf: {  	[dreg:$0x3] =	wrdreg s24  }
0xb0: {  	[dreg:$0x4] =	wrdreg $0x9  }
0xb1: {  	_ =	task.clear_ibuf [dreg:s7], $0x5FFFF;
	_ =	strace $0x90000046  }
0xb2: {  	s29 =	simm.s32 $0x9;
	_ =	strace $0x80000048  }
0xb3: {  	_ =	swait.ge [sflag:s29], $0x1  }
0xb4: {  	[sflag:s29] =	ssyncadd.s32 $0xFFFFFFFF  }
0xb5: {  	_ =	strace $0x90000048  }
0xb6: {  	_ =	sfence  }
0xb7: {  	s30 =	sld [smem:$0x0];
	_ =	sdelay $0x2  }
0xb8: {  	s31 =	sshll.u32 s1, $0xD;
	s1 =	sshrl.u32 s1, $0x2  }
0xb9: {  	s3 =	sand.u32 $0x4000, s31;
	s1 =	sadd.s32 s1, s30  }
0xba: {  	s0 =	sor.u32 s3, s0;
	s1 =	sshll.u32 s1, $0x11  }
0xbb: {  	s0 =	sor.u32 s1, s0  }
0xbc: {  	s0 =	sadd.s32 $0x8F2B, s0  }
0xbd: {  	[sflag:s0] =	ssyncadd.remote.s32 $0x1  }
0xbe: {  	_ =	sfence.sel $0xFFFF  }
0xbf: {  	[dreg:$0x0] =	wrdreg $0xFFFFFFFF;
	(pc) =	sbr.abs _section_cstart, $3  }
0xc0: {  	[dreg:$0x1] =	wrdreg $0xFFFFFFFF  }
0xc1: {  	_ =	task.clear_ibuf [dreg:s7], $0x2FFFF;
	_ =	strace $0x9FFFFFFF  }
0xc2: {  	(tm) =	ssettm $0x7FFFFFFF  }
0xc3: {  	_ =	shalt  }
tec
execute0_lowered:
.L_overlay_start_1:
0x0: {  	(tag) =	ssettag $0x1  }
0x1: {  	s2 =	rddreg [dreg:$0x0];
	s1 =	srdreg.scid  }
0x2: {  	s0 =	stileid.u32;
	s4 =	rddreg [dreg:$0x1]  }
0x3: {  	s3 =	simm.s32 $0x0;
	s13 =	simm.s32 $0x80;
	s14 =	simm.s32 $0x1A00  }
0x4: {  	s15 =	simm.s32 $0x5A00;
	s16 =	simm.s32 $0x1;
	s17 =	simm.s32 $0x3  }
0x5: {  	s18 =	simm.s32 $0x2;
	s19 =	simm.s32 $0x4;
	s20 =	simm.s32 $0x0  }
0x6: {  	s5 =	sand.u32 $0x1, s1;
	s6 =	sshll.u32 s0, $0x1;
	s9 =	smul.u32 $0xD0000, s0  }
0x7: {  	s1 =	rddreg [dreg:$0x2];
	s6 =	sor.u32 s5, s6;
	s12 =	smul.u32 $0x68000, s5  }
0x8: {  	[smem:$0x7FF] =	sst s3;
	s8 =	ssub.s32 $0x2, s5;
	s7 =	smul.u32 $0xD00, s6  }
0x9: {  	s10 =	sadd.s32 $0x6800, s4;
	s6 =	smul.u32 $0x68000, s6;
	s11 =	sshrl.u32 s8, $0x1  }
0xa: {  	_ =	strace $0x80000047;
	s8 =	ssub.s32 s8, s11;
	s9 =	sadd.s32 s12, s9  }
0xb: {  	s11 =	simm.s32 $0x5;
	s7 =	sshrl.u32 s7, $0x3;
	s6 =	sshrl.u32 s6, $0x3  }
0xc: {  	s12 =	sadd.s32 $0xD00000, s9;
	s9 =	sshrl.u32 s9, $0x3;
	s4 =	sadd.s32 s4, s7  }
0xd: {  	s30 =	sadd.s32 s10, s6;
	s6 =	smax.u32 s8, $0x1;
	s31 =	sshrl.u32 s12, $0x3  }
0xe: {  	s9 =	sadd.s32 s9, s10;
	s12 =	simm.s32 $0xD00;
	s5 =	sadd.s32 $0x3400, s4  }
0xf: {  	s7 =	sadd.s32 $0xC800, s30;
	s8 =	sadd.s32 $0x1AC800, s30;
	s10 =	sadd.s32 s31, s10  }
.LBB2_1:
0x10: {  	[tilespmem:s3], [sflag:$0x5] =	stream.linear.gather [hbm4b:s4+s3], $0xD00, $0x38;
	[tilespmem:$0x9A00] =	vst v63  }
0x11: {  	_ =	swait.ge [sflag:s11], $0xD00  }
0x12: {  	[sflag:s11] =	ssyncset.done $0x0  }
0x13: {  	[sflag:s11] =	ssyncadd.s32 $0xFFFFF300  }
0x14: {  	[tilespmem:s12], [sflag:$0x5] =	stream.linear.gather [hbm4b:s5+s3], $0xD00, $0x38;
	[tilespmem:$0x9A00] =	vst v63  }
0x15: {  	_ =	swait.ge [sflag:s11], $0xD00  }
0x16: {  	[sflag:s11] =	ssyncset.done $0x0  }
0x17: {  	[sflag:s11] =	ssyncadd.s32 $0xFFFFF300  }
0x18: {  	[tilespmem:s14], [sflag:$0x1] =	stream.indirect.gather [hbm4b:s2+s13], $0x80, s3, s13, $0xb8;
	[tilespmem:$0x9A00] =	vst v63  }
0x19: {  	_ = 	snop  }
0x1a: {  	[tilespmem:s15], [sflag:$0x2] =	stream.indirect.gather [hbm4b:s2+s13], $0x80, s12, s13, $0xb8;
	[tilespmem:$0x9A00] =	vst v63  }
0x1b: {  	_ =	swait.ge [sflag:s16], $0x4000  }
0x1c: {  	[sflag:s16] =	ssyncset.done $0x0  }
0x1d: {  	s21 =	sadd.s32 $0x0, s9;
	[sflag:s16] =	ssyncadd.s32 $0xFFFFC000  }
0x1e: {  	[hbm4b:s21+s3] =	stream.linear.scatter [tilespmem:s14], [sflag:$0x3], $0x4000, $0x38;
	[tilespmem:$0x9A00] =	vst v63  }
0x1f: {  	_ =	swait.ge [sflag:s17], $0x4000  }
0x20: {  	[sflag:s17] =	ssyncset.done $0x0  }
0x21: {  	s30 =	simm.s32 $0x80;
	[sflag:s17] =	ssyncadd.s32 $0xFFFFC000  }
0x22: {  	[tilespmem:s14], [sflag:$0x1] =	stream.indirect.gather [hbm4b:s2+s13], $0x80, s30, s13, $0xb8;
	[tilespmem:$0x9A00] =	vst v63  }
0x23: {  	_ =	swait.ge [sflag:s18], $0x4000  }
0x24: {  	[sflag:s18] =	ssyncset.done $0x0  }
0x25: {  	s31 =	sadd.s32 $0x0, s10;
	[sflag:s18] =	ssyncadd.s32 $0xFFFFC000  }
0x26: {  	[hbm4b:s31+s3] =	stream.linear.scatter [tilespmem:s15], [sflag:$0x4], $0x4000, $0x38;
	[tilespmem:$0x9A00] =	vst v63  }
0x27: {  	_ =	swait.ge [sflag:s19], $0x4000  }
0x28: {  	s22 =	simm.s32 $0x800;
	[sflag:s19] =	ssyncset.done $0x0  }
0x29: {  	s23 =	simm.s32 $0xE00;
	s21 =	simm.s32 $0xD80;
	[sflag:s19] =	ssyncadd.s32 $0xFFFFC000  }
.LBB2_2:
0x2a: {  	[tilespmem:s15], [sflag:$0x2] =	stream.indirect.gather [hbm4b:s2+s13], $0x80, s21, s13, $0xb8;
	[tilespmem:$0x9A00] =	vst v63  }
0x2b: {  	s24 =	smov.u32 s22;
	s21 =	smov.u32 s23  }
0x2c: {  	p0 =	sne.s32 s22, $0xC000;
	s22 =	sadd.s32 $0x800, s22;
	_ =	swait.ge [sflag:s16], $0x4000  }
0x2d: {  	[sflag:s16] =	ssyncset.done $0x0  }
0x2e: {  	s25 =	sadd.s32 s24, s9;
	[sflag:s16] =	ssyncadd.s32 $0xFFFFC000  }
0x2f: {  	[hbm4b:s25+s3] =	stream.linear.scatter [tilespmem:s14], [sflag:$0x3], $0x4000, $0x38;
	[tilespmem:$0x9A00] =	vst v63  }
0x30: {  	_ =	swait.ge [sflag:s17], $0x4000  }
0x31: {  	[sflag:s17] =	ssyncset.done $0x0  }
0x32: {  	s25 =	sadd.s32 $0xFFFFF300, s23;
	[sflag:s17] =	ssyncadd.s32 $0xFFFFC000  }
0x33: {  	[tilespmem:s14], [sflag:$0x1] =	stream.indirect.gather [hbm4b:s2+s13], $0x80, s25, s13, $0xb8;
	[tilespmem:$0x9A00] =	vst v63  }
0x34: {  	_ =	swait.ge [sflag:s18], $0x4000  }
0x35: {  	[sflag:s18] =	ssyncset.done $0x0  }
.Ltmp0:
0x36: {  	s24 =	sadd.s32 s24, s10;
	[sflag:s18] =	ssyncadd.s32 $0xFFFFC000;
	(pc) =	sbr.rel @p0 .LBB2_2-.Ltmp0, $4  }
0x37: {  	[hbm4b:s24+s3] =	stream.linear.scatter [tilespmem:s15], [sflag:$0x4], $0x4000, $0x38;
	[tilespmem:$0x9A00] =	vst v63  }
0x38: {  	_ =	swait.ge [sflag:s19], $0x4000  }
0x39: {  	[sflag:s19] =	ssyncset.done $0x0  }
0x3a: {  	s23 =	sadd.s32 $0x80, s23;
	[sflag:s19] =	ssyncadd.s32 $0xFFFFC000  }
0x3b: {  	[tilespmem:s15], [sflag:$0x2] =	stream.indirect.gather [hbm4b:s2+s13], $0x80, s21, s13, $0xb8;
	[tilespmem:$0x9A00] =	vst v63  }
0x3c: {  	_ =	swait.ge [sflag:s16], $0x4000  }
0x3d: {  	[sflag:s16] =	ssyncset.done $0x0  }
0x3e: {  	[sflag:s16] =	ssyncadd.s32 $0xFFFFC000  }
0x3f: {  	[hbm4b:s7+s3] =	stream.linear.scatter [tilespmem:s14], [sflag:$0x3], $0x4000, $0x38;
	[tilespmem:$0x9A00] =	vst v63  }
0x40: {  	_ =	swait.ge [sflag:s17], $0x4000  }
0x41: {  	[sflag:s17] =	ssyncset.done $0x0  }
0x42: {  	[sflag:s17] =	ssyncadd.s32 $0xFFFFC000  }
0x43: {  	s20 =	sadd.s32 $0x1, s20;
	_ =	swait.ge [sflag:s18], $0x4000  }
0x44: {  	p0 =	sne.s32 s20, s6;
	[sflag:s18] =	ssyncset.done $0x0  }
.Ltmp1:
0x45: {  	[sflag:s18] =	ssyncadd.s32 $0xFFFFC000;
	(pc) =	sbr.rel @p0 .LBB2_1-.Ltmp1, $4  }
0x46: {  	[hbm4b:s8+s3] =	stream.linear.scatter [tilespmem:s15], [sflag:$0x4], $0x4000, $0x38;
	[tilespmem:$0x9A00] =	vst v63  }
0x47: {  	_ =	swait.ge [sflag:s19], $0x4000  }
0x48: {  	[sflag:s19] =	ssyncset.done $0x0  }
0x49: {  	[sflag:s19] =	ssyncadd.s32 $0xFFFFC000  }
0x4a: {  	_ =	sfence.sel $0x180000  }
0x4b: {  	[bflag:$0x0] =	sbarrier.arrive $0xFFFF  }
0x4c: {  	p0 =	sne.s32 s0, $0x0;
	_ =	strace $0x90000047  }
0x4d: {  	s0 =	sadd.s32 @!p0 $0x100000, s1;
	[bflag:$0x2] =	sbarrier.arrive $0xFFFF  }
0x4e: {  	[sflag:s0] =	ssyncadd.tile.s32 @!p0 $0x1;
	_ =	shalt  }
.Lfunc_end2:
_tile_overlayer_lowered:
.L_overlay_start_2:
0x4f: {  	(tag) =	ssettag $0x2  }
0x50: {  	s0 =	rddreg [dreg:$0x0];
	s2 =	stileid.u32  }
0x51: {  	s1 =	rddreg [dreg:$0x1];
	p0 =	sne.s32 s2, $0x0  }
0x52: {  	s3 =	rddreg [dreg:$0x2];
	[bflag:$0x3] =	sbarrier.arrive $0xFFFF;
	s2 =	simm.s32 @!p0 $0x1C05  }
0x53: {  	[timem:s3], [sflag:s2] =	dma.local @!p0 [hbm:s0], s1  }
0x54: {  	s0 =	simm.s32 @!p0 $0x5  }
0x55: {  	_ =	swait.ge @!p0 [sflag:s0], s1  }
0x56: {  	s1 =	ssub.s32 @!p0 $0x0, s1;
	[sflag:s0] =	ssyncset.done @!p0 $0x0  }
0x57: {  	[sflag:s0] =	ssyncadd.s32 @!p0 s1  }
0x58: {  	[bflag:$0x3] =	sbarrier.arrive $0xFFFF  }
0x59: {  	_ =	shalt  }

</sc_bundles>
